<compile_context>
chip_gen: v7x
topology: tpu7x:2x2x1
jax: 0.10.2.dev20260603
libtpu: 0.0.44.dev20260713+nightly
codegen_flags: <defaults>
</compile_context>

<pallas_src>
import functools

import jax
import jax.numpy as jnp
from jax import lax
from jax.experimental import pallas as pl
from jax.experimental.pallas import tpu as pltpu
from jax.experimental.pallas import tpu_sc as plsc

B, H, W, C = 8, 128, 128, 96
OUT_H, OUT_W = H * 2, W * 2
N = B * H * W * C
M = B * OUT_H * OUT_W * C
SEG = 65536
NSEG = M // SEG
NW = 32
SEGS_PER_TILE = NSEG // NW
K = 8192
KSH = 13
NB = 784

_mesh = plsc.VectorSubcoreMesh(core_axis_name="c", subcore_axis_name="s")


@functools.partial(
    pl.kernel,
    out_type=jax.ShapeDtypeStruct((M,), jnp.float32),
    mesh=_mesh,
    scratch_types=[
        pltpu.VMEM((NB,), jnp.int32),
        pltpu.VMEM((SEG,), jnp.float32),
        pltpu.VMEM((K + 16,), jnp.int32),
        pltpu.VMEM((K + 16,), jnp.float32),
        pltpu.SemaphoreType.DMA,
        pltpu.SemaphoreType.DMA,
        pltpu.SemaphoreType.DMA,
    ],
    compiler_params=pltpu.CompilerParams(needs_layout_passes=False),
)
def _scatter_sorted(keys_hbm, vals_hbm, bounds_hbm, zeros_hbm, out_hbm,
                    bnd_v, seg_v, kw_v, vw_v, sem_k, sem_v, sem_l):
    wid = lax.axis_index("s") * 2 + lax.axis_index("c")
    pltpu.sync_copy(bounds_hbm, bnd_v)
    lanes = lax.iota(jnp.int32, 16)

    def bnd_at(i):
        vec = bnd_v[pl.ds((i >> 4) << 4, 16)]
        sel = jnp.where(lanes == (i & 15), vec, jnp.int32(-2147483647))
        return jnp.max(sel)

    def seg_body(sp, _):
        g = wid * SEGS_PER_TILE + sp
        seg_lo = pl.multiple_of(g * SEG, SEG)
        lo = bnd_at(g)
        hi = bnd_at(g + 1)
        lo_al = lo & jnp.int32(-8)
        trips = (hi - lo_al + (K - 1)) >> KSH
        pltpu.sync_copy(zeros_hbm, seg_v)

        def win_body(w, _):
            off = pl.multiple_of(jnp.minimum(lo_al + w * K, N - K), 8)
            look = pl.multiple_of(jnp.minimum(off + K, N - 16), 8)
            ck = pltpu.async_copy(keys_hbm.at[pl.ds(off, K)],
                                  kw_v.at[pl.ds(0, K)], sem_k)
            cv = pltpu.async_copy(vals_hbm.at[pl.ds(off, K)],
                                  vw_v.at[pl.ds(0, K)], sem_v)
            cl = pltpu.async_copy(keys_hbm.at[pl.ds(look, 16)],
                                  kw_v.at[pl.ds(K, 16)], sem_l)
            ck.wait()
            cv.wait()
            cl.wait()
            tail = kw_v[pl.ds(K, 16)]
            is_end = (off + K) >= N
            kw_v[pl.ds(K, 16)] = jnp.where(is_end, jnp.int32(M), tail)

            def vec_body(j, _):
                cur = kw_v[pl.ds(j * 16, 16)]
                nxt = kw_v[pl.ds(j * 16 + 1, 16)]
                vals = vw_v[pl.ds(j * 16, 16)]
                is_last = cur != nxt
                in_seg = (cur >= seg_lo) & (cur < seg_lo + SEG)
                m = is_last & in_seg
                plsc.store_scatter(seg_v, [cur - seg_lo], vals, mask=m)
                return 0

            lax.fori_loop(0, K // 16, vec_body, 0)
            return 0

        lax.fori_loop(0, trips, win_body, 0)
        pltpu.sync_copy(seg_v, out_hbm.at[pl.ds(seg_lo, SEG)])
        return 0

    lax.fori_loop(0, SEGS_PER_TILE, seg_body, 0)


def kernel(inputs, pooling_argmax):
    v = inputs.reshape(N)
    a = pooling_argmax.reshape(N)
    a_s, v_s = lax.sort((a, v), dimension=0, is_stable=False, num_keys=1)
    seg_starts = jnp.arange(NSEG + 1, dtype=jnp.int32) * SEG
    bounds = jnp.searchsorted(a_s, seg_starts, side="left").astype(jnp.int32)
    bounds = jnp.concatenate(
        [bounds, jnp.full((NB - NSEG - 1,), N, jnp.int32)])
    assert bounds.shape == (NB,)
    zeros = jnp.zeros((SEG,), jnp.float32)
    out = _scatter_sorted(a_s, v_s, bounds, zeros)
    return out.reshape(B, OUT_H, OUT_W, C)

# --- scband reference (transcript-rebuilt; emitter-appended) ---
"""Pipeline reference for scband-max-unpool-with-argmax-9689446219964 (READ-ONLY COPY).

The authoritative reference and input builder live on the scoring server;
editing this copy changes nothing except your own understanding.
"""

import jax, jax.numpy as jnp
import numpy as np

B, H, W, C = 8, 128, 128, 96
STRIDE = (1, 2, 2, 1)

def setup_inputs(seed: int = 0) -> dict:
    key = jax.random.key(seed)
    k1, k2 = jax.random.split(key)
    inputs = jax.random.normal(k1, (B, H, W, C), dtype=jnp.float32)
    out_h = H * STRIDE[1]
    out_w = W * STRIDE[2]
    flat_out = out_h * out_w * C
    # per-batch flat offsets in [0, flat_out); add batch offset so values match
    # tf.nn.max_pool_with_argmax with include_batch_in_index=True semantics,
    # which is what the layer expects (it subtracts b * flat_out).
    offsets = jax.random.randint(k2, (B, H, W, C), 0, flat_out, dtype=jnp.int32)
    batch = jnp.arange(B, dtype=jnp.int32).reshape(B, 1, 1, 1)
    pooling_argmax = offsets + batch * flat_out
    return {"inputs": inputs, "pooling_argmax": pooling_argmax}

def reference(inputs, pooling_argmax):
    b_, h_, w_, c_ = inputs.shape
    out_h = h_ * STRIDE[1]
    out_w = w_ * STRIDE[2]
    flat_out = out_h * out_w * c_
    flat_in = b_ * h_ * w_ * c_
    pool_ = inputs.reshape(flat_in)
    batch_range = jnp.arange(b_, dtype=pooling_argmax.dtype).reshape(b_, 1, 1, 1)
    b_idx = (jnp.ones_like(pooling_argmax) * batch_range).reshape(flat_in)
    ind = pooling_argmax.reshape(flat_in) - b_idx * flat_out
    ret = jnp.zeros((b_, flat_out), dtype=inputs.dtype).at[b_idx, ind].set(pool_, mode='drop')
    return ret.reshape(b_, out_h, out_w, c_)

if __name__ == "__main__":
    import jax
    _d = setup_inputs()
    print(jax.jit(kernel)(*tuple(_d.values())))

</pallas_src>

<mosaic_0001>
#map = affine_map<(d0, d1) -> (0)>
module attributes {stable_mosaic.version = 14 : i64} {
  func.func @_scatter_sorted(%arg0: i32, %arg1: i32, %arg2: memref<12582912xi32, #tpu.memory_space<hbm>>, %arg3: memref<12582912xf32, #tpu.memory_space<hbm>>, %arg4: memref<784xi32, #tpu.memory_space<hbm>>, %arg5: memref<65536xf32, #tpu.memory_space<hbm>>, %arg6: memref<50331648xf32, #tpu.memory_space<hbm>>, %arg7: memref<784xi32, #tpu.memory_space<vmem>>, %arg8: memref<65536xf32, #tpu.memory_space<vmem>>, %arg9: memref<8208xi32, #tpu.memory_space<vmem>>, %arg10: memref<8208xf32, #tpu.memory_space<vmem>>, %arg11: memref<!tpu.dma_semaphore, #tpu.memory_space<semaphore_mem>>, %arg12: memref<!tpu.dma_semaphore, #tpu.memory_space<semaphore_mem>>, %arg13: memref<!tpu.dma_semaphore, #tpu.memory_space<semaphore_mem>>) attributes {dimension_semantics = [#tpu.dimension_semantics<core_parallel>, #tpu.dimension_semantics<subcore_parallel>], iteration_bounds = array<i64: 2, 16>, scalar_prefetch = 0 : i64, scratch_operands = 7 : i64, tpu.core_type = #tpu.core_type<sc_vector_subcore>, window_params = [{transform_indices = #map}, {transform_indices = #map}, {transform_indices = #map}, {transform_indices = #map}, {transform_indices = #map}]} {
    %mul3A = arith.constant 2 : i32
    %mul3A_0 = arith.muli %arg1, %mul3A : i32
    %add3A = arith.addi %mul3A_0, %arg0 : i32
    "tpu.region"() ({
      %run_scoped3A = tpu.sem_alloc : memref<!tpu.dma_semaphore, #tpu.memory_space<semaphore_mem>>
      tpu.enqueue_dma source(%arg4 : memref<784xi32, #tpu.memory_space<hbm>>) target(%arg7 : memref<784xi32, #tpu.memory_space<vmem>>) target_semaphore(%run_scoped3A : memref<!tpu.dma_semaphore, #tpu.memory_space<semaphore_mem>>)
      tpu.wait_dma2 semaphore(%run_scoped3A : memref<!tpu.dma_semaphore, #tpu.memory_space<semaphore_mem>>) src(%arg4 : memref<784xi32, #tpu.memory_space<hbm>>) dst(%arg7 : memref<784xi32, #tpu.memory_space<vmem>>)
      tpu.yield
    }) : () -> ()
    %iota3A = tpu.iota {dimensions = array<i32: 0>} : vector<16xi32>
    %scan3A = arith.constant 0 : i32
    %scan3A_1 = arith.constant 0 : i32
    %scan3A_2 = arith.constant 24 : i32
    %scan3A_3 = arith.addi %scan3A_1, %scan3A_2 : i32
    %scan3A_4 = arith.constant 1 : i32
    %scan3A_5 = scf.for %scan3A_7 = %scan3A_1 to %scan3A_3 step %scan3A_4 iter_args(%scan3A_8 = %scan3A) -> (i32)  : i32 {
      %mul3A_9 = arith.constant 24 : i32
      %mul3A_10 = arith.muli %add3A, %mul3A_9 : i32
      %add3A_11 = arith.addi %mul3A_10, %scan3A_7 : i32
      %mul3A_12 = arith.constant 65536 : i32
      %mul3A_13 = arith.muli %add3A_11, %mul3A_12 : i32
      %multiple_of3A = tpu.assume_multiple %mul3A_13, 65536 : i32
      %shift_right_arithmetic3A = arith.constant 4 : i32
      %shift_right_arithmetic3A_14 = arith.shrsi %add3A_11, %shift_right_arithmetic3A : i32
      %shift_left3A = arith.constant 4 : i32
      %shift_left3A_15 = arith.shli %shift_right_arithmetic3A_14, %shift_left3A : i32
      %get3A = arith.index_cast %shift_left3A_15 : i32 to index
      %get3A_16 = tpu.vector_load %arg7[%get3A] {strides = array<i32>} : memref<784xi32, #tpu.memory_space<vmem>>, vector<16xi32>,
      %and3A = arith.constant 15 : i32
      %and3A_17 = arith.andi %add3A_11, %and3A : i32
      %eq3A = vector.broadcast %and3A_17 : i32 to vector<16xi32>
      %eq3A_18 = arith.cmpi eq, %iota3A, %eq3A : vector<16xi32>
      %jit3A = arith.constant -2147483647 : i32
      %broadcast_in_dim3A = vector.broadcast %jit3A : i32 to vector<16xi32>
      %select_n3A = arith.select %eq3A_18, %get3A_16, %broadcast_in_dim3A : vector<16xi1>, vector<16xi32>
      %reduce_max3A = arith.constant true
      %reduce_max3A_19 = vector.broadcast %reduce_max3A : i1 to vector<16xi1>
      %reduce_max3A_20 = arith.constant -2147483648 : i32
      %reduce_max3A_21 = vector.broadcast %reduce_max3A_20 : i32 to vector<16xi32>
      %reduce_max3A_22 = arith.xori %select_n3A, %reduce_max3A_21 : vector<16xi32>
      %reduce_max3A_23 = tpu.scan <max>, %reduce_max3A_22 masked %reduce_max3A_19 : vector<16xi32>, vector<16xi1> -> vector<16xi32>
      %reduce_max3A_24 = arith.xori %reduce_max3A_23, %reduce_max3A_21 : vector<16xi32>
      %reduce_max3A_25 = vector.extract %reduce_max3A_24[15] : i32 from vector<16xi32>
      %add3A_26 = arith.constant 1 : i32
      %add3A_27 = arith.addi %add3A_11, %add3A_26 : i32
      %shift_right_arithmetic3A_28 = arith.constant 4 : i32
      %shift_right_arithmetic3A_29 = arith.shrsi %add3A_27, %shift_right_arithmetic3A_28 : i32
      %shift_left3A_30 = arith.constant 4 : i32
      %shift_left3A_31 = arith.shli %shift_right_arithmetic3A_29, %shift_left3A_30 : i32
      %get3A_32 = arith.index_cast %shift_left3A_31 : i32 to index
      %get3A_33 = tpu.vector_load %arg7[%get3A_32] {strides = array<i32>} : memref<784xi32, #tpu.memory_space<vmem>>, vector<16xi32>,
      %and3A_34 = arith.constant 15 : i32
      %and3A_35 = arith.andi %add3A_27, %and3A_34 : i32
      %eq3A_36 = vector.broadcast %and3A_35 : i32 to vector<16xi32>
      %eq3A_37 = arith.cmpi eq, %iota3A, %eq3A_36 : vector<16xi32>
      %jit3A_38 = arith.constant -2147483647 : i32
      %broadcast_in_dim3A_39 = vector.broadcast %jit3A_38 : i32 to vector<16xi32>
      %select_n3A_40 = arith.select %eq3A_37, %get3A_33, %broadcast_in_dim3A_39 : vector<16xi1>, vector<16xi32>
      %reduce_max3A_41 = arith.constant true
      %reduce_max3A_42 = vector.broadcast %reduce_max3A_41 : i1 to vector<16xi1>
      %reduce_max3A_43 = arith.constant -2147483648 : i32
      %reduce_max3A_44 = vector.broadcast %reduce_max3A_43 : i32 to vector<16xi32>
      %reduce_max3A_45 = arith.xori %select_n3A_40, %reduce_max3A_44 : vector<16xi32>
      %reduce_max3A_46 = tpu.scan <max>, %reduce_max3A_45 masked %reduce_max3A_42 : vector<16xi32>, vector<16xi1> -> vector<16xi32>
      %reduce_max3A_47 = arith.xori %reduce_max3A_46, %reduce_max3A_44 : vector<16xi32>
      %reduce_max3A_48 = vector.extract %reduce_max3A_47[15] : i32 from vector<16xi32>
      %and3A_49 = arith.constant -8 : i32
      %and3A_50 = arith.andi %reduce_max3A_25, %and3A_49 : i32
      %sub3A = arith.subi %reduce_max3A_48, %and3A_50 : i32
      %add3A_51 = arith.constant 8191 : i32
      %add3A_52 = arith.addi %sub3A, %add3A_51 : i32
      %shift_right_arithmetic3A_53 = arith.constant 13 : i32
      %shift_right_arithmetic3A_54 = arith.shrsi %add3A_52, %shift_right_arithmetic3A_53 : i32
      "tpu.region"() ({
        %run_scoped3A = tpu.sem_alloc : memref<!tpu.dma_semaphore, #tpu.memory_space<semaphore_mem>>
        tpu.enqueue_dma source(%arg5 : memref<65536xf32, #tpu.memory_space<hbm>>) target(%arg8 : memref<65536xf32, #tpu.memory_space<vmem>>) target_semaphore(%run_scoped3A : memref<!tpu.dma_semaphore, #tpu.memory_space<semaphore_mem>>)
        tpu.wait_dma2 semaphore(%run_scoped3A : memref<!tpu.dma_semaphore, #tpu.memory_space<semaphore_mem>>) src(%arg5 : memref<65536xf32, #tpu.memory_space<hbm>>) dst(%arg8 : memref<65536xf32, #tpu.memory_space<vmem>>)
        tpu.yield
      }) : () -> ()
      %while3A = arith.constant 0 : i32
      %while3A_55 = arith.constant 0 : i32
      %while3A_56 = arith.subi %shift_right_arithmetic3A_54, %while3A : i32
      %while3A_57 = arith.addi %while3A, %while3A_56 : i32
      %while3A_58 = arith.constant 1 : i32
      %while3A_59 = arith.divsi %while3A_56, %while3A_58 : i32
      %while3A_60 = arith.muli %while3A_59, %while3A_58 : i32
      %while3A_61 = arith.addi %while3A, %while3A_60 : i32
      %while3A_62 = arith.constant 1 : i32
      %while3A_63 = scf.for %while3A_67 = %while3A to %while3A_61 step %while3A_62 iter_args(%while3A_68 = %while3A_55) -> (i32)  : i32 {
        %mul3A_69 = arith.constant 8192 : i32
        %mul3A_70 = arith.muli %while3A_67, %mul3A_69 : i32
        %add3A_71 = arith.addi %and3A_50, %mul3A_70 : i32
        %min3A = arith.constant 12574720 : i32
        %min3A_72 = arith.minsi %add3A_71, %min3A : i32
        %multiple_of3A_73 = tpu.assume_multiple %min3A_72, 8 : i32
        %add3A_74 = arith.constant 8192 : i32
        %add3A_75 = arith.addi %multiple_of3A_73, %add3A_74 : i32
        %min3A_76 = arith.constant 12582896 : i32
        %min3A_77 = arith.minsi %add3A_75, %min3A_76 : i32
        %multiple_of3A_78 = tpu.assume_multiple %min3A_77, 8 : i32
        %dma_start3A = arith.constant 0 : i32
        %dma_start3A_79 = tpu.memref_slice %arg9[%dma_start3A] : memref<8208xi32, #tpu.memory_space<vmem>> -> memref<8192xi32, #tpu.memory_space<vmem>>
        %dma_start3A_80 = tpu.memref_slice %arg2[%multiple_of3A_73] : memref<12582912xi32, #tpu.memory_space<hbm>> -> memref<8192xi32, #tpu.memory_space<hbm>>
        %dma_start3A_81 = arith.constant 0 : i32
        %dma_start3A_82 = tpu.memref_slice %arg9[%dma_start3A_81] : memref<8208xi32, #tpu.memory_space<vmem>> -> memref<8192xi32, #tpu.memory_space<vmem>>
        %dma_start3A_83 = tpu.memref_slice %arg2[%multiple_of3A_73] : memref<12582912xi32, #tpu.memory_space<hbm>> -> memref<8192xi32, #tpu.memory_space<hbm>>
        tpu.enqueue_dma source(%dma_start3A_83 : memref<8192xi32, #tpu.memory_space<hbm>>) target(%dma_start3A_82 : memref<8192xi32, #tpu.memory_space<vmem>>) target_semaphore(%arg11 : memref<!tpu.dma_semaphore, #tpu.memory_space<semaphore_mem>>)
        %dma_start3A_84 = arith.constant 0 : i32
        %dma_start3A_85 = tpu.memref_slice %arg10[%dma_start3A_84] : memref<8208xf32, #tpu.memory_space<vmem>> -> memref<8192xf32, #tpu.memory_space<vmem>>
        %dma_start3A_86 = tpu.memref_slice %arg3[%multiple_of3A_73] : memref<12582912xf32, #tpu.memory_space<hbm>> -> memref<8192xf32, #tpu.memory_space<hbm>>
        %dma_start3A_87 = arith.constant 0 : i32
        %dma_start3A_88 = tpu.memref_slice %arg10[%dma_start3A_87] : memref<8208xf32, #tpu.memory_space<vmem>> -> memref<8192xf32, #tpu.memory_space<vmem>>
        %dma_start3A_89 = tpu.memref_slice %arg3[%multiple_of3A_73] : memref<12582912xf32, #tpu.memory_space<hbm>> -> memref<8192xf32, #tpu.memory_space<hbm>>
        tpu.enqueue_dma source(%dma_start3A_89 : memref<8192xf32, #tpu.memory_space<hbm>>) target(%dma_start3A_88 : memref<8192xf32, #tpu.memory_space<vmem>>) target_semaphore(%arg12 : memref<!tpu.dma_semaphore, #tpu.memory_space<semaphore_mem>>)
        %dma_start3A_90 = arith.constant 8192 : i32
        %dma_start3A_91 = tpu.memref_slice %arg9[%dma_start3A_90] : memref<8208xi32, #tpu.memory_space<vmem>> -> memref<16xi32, #tpu.memory_space<vmem>>
        %dma_start3A_92 = tpu.memref_slice %arg2[%multiple_of3A_78] : memref<12582912xi32, #tpu.memory_space<hbm>> -> memref<16xi32, #tpu.memory_space<hbm>>
        %dma_start3A_93 = arith.constant 8192 : i32
        %dma_start3A_94 = tpu.memref_slice %arg9[%dma_start3A_93] : memref<8208xi32, #tpu.memory_space<vmem>> -> memref<16xi32, #tpu.memory_space<vmem>>
        %dma_start3A_95 = tpu.memref_slice %arg2[%multiple_of3A_78] : memref<12582912xi32, #tpu.memory_space<hbm>> -> memref<16xi32, #tpu.memory_space<hbm>>
        tpu.enqueue_dma source(%dma_start3A_95 : memref<16xi32, #tpu.memory_space<hbm>>) target(%dma_start3A_94 : memref<16xi32, #tpu.memory_space<vmem>>) target_semaphore(%arg13 : memref<!tpu.dma_semaphore, #tpu.memory_space<semaphore_mem>>)
        %dma_wait3A = arith.constant 0 : i32
        %dma_wait3A_96 = tpu.memref_slice %arg9[%dma_wait3A] : memref<8208xi32, #tpu.memory_space<vmem>> -> memref<8192xi32, #tpu.memory_space<vmem>>
        %dma_wait3A_97 = tpu.memref_slice %arg2[%multiple_of3A_73] : memref<12582912xi32, #tpu.memory_space<hbm>> -> memref<8192xi32, #tpu.memory_space<hbm>>
        %dma_wait3A_98 = arith.constant 0 : i32
        %dma_wait3A_99 = tpu.memref_slice %arg9[%dma_wait3A_98] : memref<8208xi32, #tpu.memory_space<vmem>> -> memref<8192xi32, #tpu.memory_space<vmem>>
        %dma_wait3A_100 = tpu.memref_slice %arg2[%multiple_of3A_73] : memref<12582912xi32, #tpu.memory_space<hbm>> -> memref<8192xi32, #tpu.memory_space<hbm>>
        tpu.wait_dma2 semaphore(%arg11 : memref<!tpu.dma_semaphore, #tpu.memory_space<semaphore_mem>>) src(%dma_wait3A_100 : memref<8192xi32, #tpu.memory_space<hbm>>) dst(%dma_wait3A_99 : memref<8192xi32, #tpu.memory_space<vmem>>)
        %dma_wait3A_101 = arith.constant 0 : i32
        %dma_wait3A_102 = tpu.memref_slice %arg10[%dma_wait3A_101] : memref<8208xf32, #tpu.memory_space<vmem>> -> memref<8192xf32, #tpu.memory_space<vmem>>
        %dma_wait3A_103 = tpu.memref_slice %arg3[%multiple_of3A_73] : memref<12582912xf32, #tpu.memory_space<hbm>> -> memref<8192xf32, #tpu.memory_space<hbm>>
        %dma_wait3A_104 = arith.constant 0 : i32
        %dma_wait3A_105 = tpu.memref_slice %arg10[%dma_wait3A_104] : memref<8208xf32, #tpu.memory_space<vmem>> -> memref<8192xf32, #tpu.memory_space<vmem>>
        %dma_wait3A_106 = tpu.memref_slice %arg3[%multiple_of3A_73] : memref<12582912xf32, #tpu.memory_space<hbm>> -> memref<8192xf32, #tpu.memory_space<hbm>>
        tpu.wait_dma2 semaphore(%arg12 : memref<!tpu.dma_semaphore, #tpu.memory_space<semaphore_mem>>) src(%dma_wait3A_106 : memref<8192xf32, #tpu.memory_space<hbm>>) dst(%dma_wait3A_105 : memref<8192xf32, #tpu.memory_space<vmem>>)
        %dma_wait3A_107 = arith.constant 8192 : i32
        %dma_wait3A_108 = tpu.memref_slice %arg9[%dma_wait3A_107] : memref<8208xi32, #tpu.memory_space<vmem>> -> memref<16xi32, #tpu.memory_space<vmem>>
        %dma_wait3A_109 = tpu.memref_slice %arg2[%multiple_of3A_78] : memref<12582912xi32, #tpu.memory_space<hbm>> -> memref<16xi32, #tpu.memory_space<hbm>>
        %dma_wait3A_110 = arith.constant 8192 : i32
        %dma_wait3A_111 = tpu.memref_slice %arg9[%dma_wait3A_110] : memref<8208xi32, #tpu.memory_space<vmem>> -> memref<16xi32, #tpu.memory_space<vmem>>
        %dma_wait3A_112 = tpu.memref_slice %arg2[%multiple_of3A_78] : memref<12582912xi32, #tpu.memory_space<hbm>> -> memref<16xi32, #tpu.memory_space<hbm>>
        tpu.wait_dma2 semaphore(%arg13 : memref<!tpu.dma_semaphore, #tpu.memory_space<semaphore_mem>>) src(%dma_wait3A_112 : memref<16xi32, #tpu.memory_space<hbm>>) dst(%dma_wait3A_111 : memref<16xi32, #tpu.memory_space<vmem>>)
        %get3A_113 = arith.constant 8192 : index
        %get3A_114 = tpu.vector_load %arg9[%get3A_113] {strides = array<i32>} : memref<8208xi32, #tpu.memory_space<vmem>>, vector<16xi32>,
        %add3A_115 = arith.constant 8192 : i32
        %add3A_116 = arith.addi %multiple_of3A_73, %add3A_115 : i32
        %ge3A = arith.constant 12582912 : i32
        %ge3A_117 = arith.cmpi sge, %add3A_116, %ge3A : i32
        %jit3A_118 = arith.constant 50331648 : i32
        %broadcast_in_dim3A_119 = vector.broadcast %jit3A_118 : i32 to vector<16xi32>
        %select_n3A_120 = arith.select %ge3A_117, %broadcast_in_dim3A_119, %get3A_114 : vector<16xi32>
        %swap3A = arith.constant 8192 : index
        %swap3A_121 = tpu.vector_load %arg9[%swap3A] {strides = array<i32>} : memref<8208xi32, #tpu.memory_space<vmem>>, vector<16xi32>,
        tpu.vector_store %arg9[%swap3A], %select_n3A_120 {strides = array<i32>} : memref<8208xi32, #tpu.memory_space<vmem>>, vector<16xi32>,
        %scan3A_122 = arith.constant 0 : i32
        %scan3A_123 = arith.constant 0 : i32
        %scan3A_124 = arith.constant 512 : i32
        %scan3A_125 = arith.addi %scan3A_123, %scan3A_124 : i32
        %scan3A_126 = arith.constant 1 : i32
        %scan3A_127 = scf.for %scan3A_130 = %scan3A_123 to %scan3A_125 step %scan3A_126 iter_args(%scan3A_131 = %scan3A_122) -> (i32)  : i32 {
          %mul3A_132 = arith.constant 16 : i32
          %mul3A_133 = arith.muli %scan3A_130, %mul3A_132 : i32
          %get3A_134 = arith.index_cast %mul3A_133 : i32 to index
          %get3A_135 = tpu.vector_load %arg9[%get3A_134] {strides = array<i32>} : memref<8208xi32, #tpu.memory_space<vmem>>, vector<16xi32>,
          %mul3A_136 = arith.constant 16 : i32
          %mul3A_137 = arith.muli %scan3A_130, %mul3A_136 : i32
          %add3A_138 = arith.constant 1 : i32
          %add3A_139 = arith.addi %mul3A_137, %add3A_138 : i32
          %get3A_140 = arith.index_cast %add3A_139 : i32 to index
          %get3A_141 = tpu.vector_load %arg9[%get3A_140] {strides = array<i32>} : memref<8208xi32, #tpu.memory_space<vmem>>, vector<16xi32>,
          %mul3A_142 = arith.constant 16 : i32
          %mul3A_143 = arith.muli %scan3A_130, %mul3A_142 : i32
          %get3A_144 = arith.index_cast %mul3A_143 : i32 to index
          %get3A_145 = tpu.vector_load %arg10[%get3A_144] {strides = array<i32>} : memref<8208xf32, #tpu.memory_space<vmem>>, vector<16xf32>,
          %ne3A = arith.cmpi ne, %get3A_135, %get3A_141 : vector<16xi32>
          %ge3A_146 = vector.broadcast %multiple_of3A : i32 to vector<16xi32>
          %ge3A_147 = arith.cmpi sge, %get3A_135, %ge3A_146 : vector<16xi32>
          %add3A_148 = arith.constant 65536 : i32
          %add3A_149 = arith.addi %multiple_of3A, %add3A_148 : i32
          %lt3A = vector.broadcast %add3A_149 : i32 to vector<16xi32>
          %lt3A_150 = arith.cmpi slt, %get3A_135, %lt3A : vector<16xi32>
          %and3A_151 = arith.andi %ge3A_147, %lt3A_150 : vector<16xi1>
          %and3A_152 = arith.andi %ne3A, %and3A_151 : vector<16xi1>
          %sub3A_153 = vector.broadcast %multiple_of3A : i32 to vector<16xi32>
          %sub3A_154 = arith.subi %get3A_135, %sub3A_153 : vector<16xi32>
          tpu.vector_store_idx %arg8[%sub3A_154], %get3A_145 masked %and3A_152 : memref<65536xf32, #tpu.memory_space<vmem>>[vector<16xi32>], vector<16xf32>, vector<16xi1>
          %scan3A_155 = arith.constant 0 : i32
          scf.yield %scan3A_155 : i32
        }
        %scan3A_128 = arith.constant 512 : i32
        %while3A_129 = arith.constant 0 : i32
        scf.yield %while3A_129 : i32
      }
      %while3A_64 = arith.constant 1 : i32
      %while3A_65 = scf.for %while3A_67 = %while3A_61 to %while3A_57 step %while3A_64 iter_args(%while3A_68 = %while3A_63) -> (i32)  : i32 {
        %mul3A_69 = arith.constant 8192 : i32
        %mul3A_70 = arith.muli %while3A_67, %mul3A_69 : i32
        %add3A_71 = arith.addi %and3A_50, %mul3A_70 : i32
        %min3A = arith.constant 12574720 : i32
        %min3A_72 = arith.minsi %add3A_71, %min3A : i32
        %multiple_of3A_73 = tpu.assume_multiple %min3A_72, 8 : i32
        %add3A_74 = arith.constant 8192 : i32
        %add3A_75 = arith.addi %multiple_of3A_73, %add3A_74 : i32
        %min3A_76 = arith.constant 12582896 : i32
        %min3A_77 = arith.minsi %add3A_75, %min3A_76 : i32
        %multiple_of3A_78 = tpu.assume_multiple %min3A_77, 8 : i32
        %dma_start3A = arith.constant 0 : i32
        %dma_start3A_79 = tpu.memref_slice %arg9[%dma_start3A] : memref<8208xi32, #tpu.memory_space<vmem>> -> memref<8192xi32, #tpu.memory_space<vmem>>
        %dma_start3A_80 = tpu.memref_slice %arg2[%multiple_of3A_73] : memref<12582912xi32, #tpu.memory_space<hbm>> -> memref<8192xi32, #tpu.memory_space<hbm>>
        %dma_start3A_81 = arith.constant 0 : i32
        %dma_start3A_82 = tpu.memref_slice %arg9[%dma_start3A_81] : memref<8208xi32, #tpu.memory_space<vmem>> -> memref<8192xi32, #tpu.memory_space<vmem>>
        %dma_start3A_83 = tpu.memref_slice %arg2[%multiple_of3A_73] : memref<12582912xi32, #tpu.memory_space<hbm>> -> memref<8192xi32, #tpu.memory_space<hbm>>
        tpu.enqueue_dma source(%dma_start3A_83 : memref<8192xi32, #tpu.memory_space<hbm>>) target(%dma_start3A_82 : memref<8192xi32, #tpu.memory_space<vmem>>) target_semaphore(%arg11 : memref<!tpu.dma_semaphore, #tpu.memory_space<semaphore_mem>>)
        %dma_start3A_84 = arith.constant 0 : i32
        %dma_start3A_85 = tpu.memref_slice %arg10[%dma_start3A_84] : memref<8208xf32, #tpu.memory_space<vmem>> -> memref<8192xf32, #tpu.memory_space<vmem>>
        %dma_start3A_86 = tpu.memref_slice %arg3[%multiple_of3A_73] : memref<12582912xf32, #tpu.memory_space<hbm>> -> memref<8192xf32, #tpu.memory_space<hbm>>
        %dma_start3A_87 = arith.constant 0 : i32
        %dma_start3A_88 = tpu.memref_slice %arg10[%dma_start3A_87] : memref<8208xf32, #tpu.memory_space<vmem>> -> memref<8192xf32, #tpu.memory_space<vmem>>
        %dma_start3A_89 = tpu.memref_slice %arg3[%multiple_of3A_73] : memref<12582912xf32, #tpu.memory_space<hbm>> -> memref<8192xf32, #tpu.memory_space<hbm>>
        tpu.enqueue_dma source(%dma_start3A_89 : memref<8192xf32, #tpu.memory_space<hbm>>) target(%dma_start3A_88 : memref<8192xf32, #tpu.memory_space<vmem>>) target_semaphore(%arg12 : memref<!tpu.dma_semaphore, #tpu.memory_space<semaphore_mem>>)
        %dma_start3A_90 = arith.constant 8192 : i32
        %dma_start3A_91 = tpu.memref_slice %arg9[%dma_start3A_90] : memref<8208xi32, #tpu.memory_space<vmem>> -> memref<16xi32, #tpu.memory_space<vmem>>
        %dma_start3A_92 = tpu.memref_slice %arg2[%multiple_of3A_78] : memref<12582912xi32, #tpu.memory_space<hbm>> -> memref<16xi32, #tpu.memory_space<hbm>>
        %dma_start3A_93 = arith.constant 8192 : i32
        %dma_start3A_94 = tpu.memref_slice %arg9[%dma_start3A_93] : memref<8208xi32, #tpu.memory_space<vmem>> -> memref<16xi32, #tpu.memory_space<vmem>>
        %dma_start3A_95 = tpu.memref_slice %arg2[%multiple_of3A_78] : memref<12582912xi32, #tpu.memory_space<hbm>> -> memref<16xi32, #tpu.memory_space<hbm>>
        tpu.enqueue_dma source(%dma_start3A_95 : memref<16xi32, #tpu.memory_space<hbm>>) target(%dma_start3A_94 : memref<16xi32, #tpu.memory_space<vmem>>) target_semaphore(%arg13 : memref<!tpu.dma_semaphore, #tpu.memory_space<semaphore_mem>>)
        %dma_wait3A = arith.constant 0 : i32
        %dma_wait3A_96 = tpu.memref_slice %arg9[%dma_wait3A] : memref<8208xi32, #tpu.memory_space<vmem>> -> memref<8192xi32, #tpu.memory_space<vmem>>
        %dma_wait3A_97 = tpu.memref_slice %arg2[%multiple_of3A_73] : memref<12582912xi32, #tpu.memory_space<hbm>> -> memref<8192xi32, #tpu.memory_space<hbm>>
        %dma_wait3A_98 = arith.constant 0 : i32
        %dma_wait3A_99 = tpu.memref_slice %arg9[%dma_wait3A_98] : memref<8208xi32, #tpu.memory_space<vmem>> -> memref<8192xi32, #tpu.memory_space<vmem>>
        %dma_wait3A_100 = tpu.memref_slice %arg2[%multiple_of3A_73] : memref<12582912xi32, #tpu.memory_space<hbm>> -> memref<8192xi32, #tpu.memory_space<hbm>>
        tpu.wait_dma2 semaphore(%arg11 : memref<!tpu.dma_semaphore, #tpu.memory_space<semaphore_mem>>) src(%dma_wait3A_100 : memref<8192xi32, #tpu.memory_space<hbm>>) dst(%dma_wait3A_99 : memref<8192xi32, #tpu.memory_space<vmem>>)
        %dma_wait3A_101 = arith.constant 0 : i32
        %dma_wait3A_102 = tpu.memref_slice %arg10[%dma_wait3A_101] : memref<8208xf32, #tpu.memory_space<vmem>> -> memref<8192xf32, #tpu.memory_space<vmem>>
        %dma_wait3A_103 = tpu.memref_slice %arg3[%multiple_of3A_73] : memref<12582912xf32, #tpu.memory_space<hbm>> -> memref<8192xf32, #tpu.memory_space<hbm>>
        %dma_wait3A_104 = arith.constant 0 : i32
        %dma_wait3A_105 = tpu.memref_slice %arg10[%dma_wait3A_104] : memref<8208xf32, #tpu.memory_space<vmem>> -> memref<8192xf32, #tpu.memory_space<vmem>>
        %dma_wait3A_106 = tpu.memref_slice %arg3[%multiple_of3A_73] : memref<12582912xf32, #tpu.memory_space<hbm>> -> memref<8192xf32, #tpu.memory_space<hbm>>
        tpu.wait_dma2 semaphore(%arg12 : memref<!tpu.dma_semaphore, #tpu.memory_space<semaphore_mem>>) src(%dma_wait3A_106 : memref<8192xf32, #tpu.memory_space<hbm>>) dst(%dma_wait3A_105 : memref<8192xf32, #tpu.memory_space<vmem>>)
        %dma_wait3A_107 = arith.constant 8192 : i32
        %dma_wait3A_108 = tpu.memref_slice %arg9[%dma_wait3A_107] : memref<8208xi32, #tpu.memory_space<vmem>> -> memref<16xi32, #tpu.memory_space<vmem>>
        %dma_wait3A_109 = tpu.memref_slice %arg2[%multiple_of3A_78] : memref<12582912xi32, #tpu.memory_space<hbm>> -> memref<16xi32, #tpu.memory_space<hbm>>
        %dma_wait3A_110 = arith.constant 8192 : i32
        %dma_wait3A_111 = tpu.memref_slice %arg9[%dma_wait3A_110] : memref<8208xi32, #tpu.memory_space<vmem>> -> memref<16xi32, #tpu.memory_space<vmem>>
        %dma_wait3A_112 = tpu.memref_slice %arg2[%multiple_of3A_78] : memref<12582912xi32, #tpu.memory_space<hbm>> -> memref<16xi32, #tpu.memory_space<hbm>>
        tpu.wait_dma2 semaphore(%arg13 : memref<!tpu.dma_semaphore, #tpu.memory_space<semaphore_mem>>) src(%dma_wait3A_112 : memref<16xi32, #tpu.memory_space<hbm>>) dst(%dma_wait3A_111 : memref<16xi32, #tpu.memory_space<vmem>>)
        %get3A_113 = arith.constant 8192 : index
        %get3A_114 = tpu.vector_load %arg9[%get3A_113] {strides = array<i32>} : memref<8208xi32, #tpu.memory_space<vmem>>, vector<16xi32>,
        %add3A_115 = arith.constant 8192 : i32
        %add3A_116 = arith.addi %multiple_of3A_73, %add3A_115 : i32
        %ge3A = arith.constant 12582912 : i32
        %ge3A_117 = arith.cmpi sge, %add3A_116, %ge3A : i32
        %jit3A_118 = arith.constant 50331648 : i32
        %broadcast_in_dim3A_119 = vector.broadcast %jit3A_118 : i32 to vector<16xi32>
        %select_n3A_120 = arith.select %ge3A_117, %broadcast_in_dim3A_119, %get3A_114 : vector<16xi32>
        %swap3A = arith.constant 8192 : index
        %swap3A_121 = tpu.vector_load %arg9[%swap3A] {strides = array<i32>} : memref<8208xi32, #tpu.memory_space<vmem>>, vector<16xi32>,
        tpu.vector_store %arg9[%swap3A], %select_n3A_120 {strides = array<i32>} : memref<8208xi32, #tpu.memory_space<vmem>>, vector<16xi32>,
        %scan3A_122 = arith.constant 0 : i32
        %scan3A_123 = arith.constant 0 : i32
        %scan3A_124 = arith.constant 512 : i32
        %scan3A_125 = arith.addi %scan3A_123, %scan3A_124 : i32
        %scan3A_126 = arith.constant 1 : i32
        %scan3A_127 = scf.for %scan3A_130 = %scan3A_123 to %scan3A_125 step %scan3A_126 iter_args(%scan3A_131 = %scan3A_122) -> (i32)  : i32 {
          %mul3A_132 = arith.constant 16 : i32
          %mul3A_133 = arith.muli %scan3A_130, %mul3A_132 : i32
          %get3A_134 = arith.index_cast %mul3A_133 : i32 to index
          %get3A_135 = tpu.vector_load %arg9[%get3A_134] {strides = array<i32>} : memref<8208xi32, #tpu.memory_space<vmem>>, vector<16xi32>,
          %mul3A_136 = arith.constant 16 : i32
          %mul3A_137 = arith.muli %scan3A_130, %mul3A_136 : i32
          %add3A_138 = arith.constant 1 : i32
          %add3A_139 = arith.addi %mul3A_137, %add3A_138 : i32
          %get3A_140 = arith.index_cast %add3A_139 : i32 to index
          %get3A_141 = tpu.vector_load %arg9[%get3A_140] {strides = array<i32>} : memref<8208xi32, #tpu.memory_space<vmem>>, vector<16xi32>,
          %mul3A_142 = arith.constant 16 : i32
          %mul3A_143 = arith.muli %scan3A_130, %mul3A_142 : i32
          %get3A_144 = arith.index_cast %mul3A_143 : i32 to index
          %get3A_145 = tpu.vector_load %arg10[%get3A_144] {strides = array<i32>} : memref<8208xf32, #tpu.memory_space<vmem>>, vector<16xf32>,
          %ne3A = arith.cmpi ne, %get3A_135, %get3A_141 : vector<16xi32>
          %ge3A_146 = vector.broadcast %multiple_of3A : i32 to vector<16xi32>
          %ge3A_147 = arith.cmpi sge, %get3A_135, %ge3A_146 : vector<16xi32>
          %add3A_148 = arith.constant 65536 : i32
          %add3A_149 = arith.addi %multiple_of3A, %add3A_148 : i32
          %lt3A = vector.broadcast %add3A_149 : i32 to vector<16xi32>
          %lt3A_150 = arith.cmpi slt, %get3A_135, %lt3A : vector<16xi32>
          %and3A_151 = arith.andi %ge3A_147, %lt3A_150 : vector<16xi1>
          %and3A_152 = arith.andi %ne3A, %and3A_151 : vector<16xi1>
          %sub3A_153 = vector.broadcast %multiple_of3A : i32 to vector<16xi32>
          %sub3A_154 = arith.subi %get3A_135, %sub3A_153 : vector<16xi32>
          tpu.vector_store_idx %arg8[%sub3A_154], %get3A_145 masked %and3A_152 : memref<65536xf32, #tpu.memory_space<vmem>>[vector<16xi32>], vector<16xf32>, vector<16xi1>
          %scan3A_155 = arith.constant 0 : i32
          scf.yield %scan3A_155 : i32
        }
        %scan3A_128 = arith.constant 512 : i32
        %while3A_129 = arith.constant 0 : i32
        scf.yield %while3A_129 : i32
      }
      "tpu.region"() ({
        %run_scoped3A = tpu.sem_alloc : memref<!tpu.dma_semaphore, #tpu.memory_space<semaphore_mem>>
        %dma_start3A = tpu.memref_slice %arg6[%multiple_of3A] : memref<50331648xf32, #tpu.memory_space<hbm>> -> memref<65536xf32, #tpu.memory_space<hbm>>
        %dma_start3A_67 = tpu.memref_slice %arg6[%multiple_of3A] : memref<50331648xf32, #tpu.memory_space<hbm>> -> memref<65536xf32, #tpu.memory_space<hbm>>
        tpu.enqueue_dma source(%arg8 : memref<65536xf32, #tpu.memory_space<vmem>>) target(%dma_start3A_67 : memref<65536xf32, #tpu.memory_space<hbm>>) target_semaphore(%run_scoped3A : memref<!tpu.dma_semaphore, #tpu.memory_space<semaphore_mem>>)
        %dma_wait3A = tpu.memref_slice %arg6[%multiple_of3A] : memref<50331648xf32, #tpu.memory_space<hbm>> -> memref<65536xf32, #tpu.memory_space<hbm>>
        %dma_wait3A_68 = tpu.memref_slice %arg6[%multiple_of3A] : memref<50331648xf32, #tpu.memory_space<hbm>> -> memref<65536xf32, #tpu.memory_space<hbm>>
        tpu.wait_dma2 semaphore(%run_scoped3A : memref<!tpu.dma_semaphore, #tpu.memory_space<semaphore_mem>>) src(%arg8 : memref<65536xf32, #tpu.memory_space<vmem>>) dst(%dma_wait3A_68 : memref<65536xf32, #tpu.memory_space<hbm>>)
        tpu.yield
      }) : () -> ()
      %scan3A_66 = arith.constant 0 : i32
      scf.yield %scan3A_66 : i32
    }
    %scan3A_6 = arith.constant 24 : i32
    return
  }
}

</mosaic_0001>

<sc_bundles>
// kernel: kernel.3.cloned.1.call-start
scs
__scs_entry_jumppad:
0x0: {  	(pc) =	sbr.rel $0x88, $3  }
0x1: {  	(tag) =	ssettag $0x0;
	lr =	simm.s32 $0x1  }
0x2: {  	[smem:$0x3F9F] =	sst lr;
	_ =	strace $0xD0000000  }
0x3: {  	_ = 	snop  }
0x4: {  	_ = 	snop  }
0x5: {  	_ = 	snop  }
0x6: {  	_ = 	snop  }
0x7: {  	_ = 	snop  }
__scs_overlays_trampoline_lowered:
0x8: {  	[smem:$0x3FAE] =	sst s0  }
0x9: {  	[smem:$0x3FAF] =	sst s1  }
0xa: {  	[smem:$0x3FB0] =	sst s2  }
0xb: {  	[smem:$0x3FB1] =	sst s3  }
0xc: {  	[smem:$0x3FB2] =	sst s4  }
0xd: {  	[smem:$0x3FB3] =	sst s5  }
0xe: {  	[smem:$0x3FB4] =	sst s6  }
0xf: {  	[smem:$0x3FB5] =	sst s7  }
0x10: {  	[smem:$0x3FB6] =	sst s8  }
0x11: {  	[smem:$0x3FB7] =	sst s9;
	s0 =	simm.s32 @!p0 $0x0  }
0x12: {  	s1 =	sld [smem:$0x3F9D];
	s0 =	simm.s32 @p0 $0x1  }
0x13: {  	[smem:$0x3FB8] =	sst s0;
	s0 =	simm.s32 @!p1 $0x0  }
0x14: {  	s2 =	sld [smem:$0x3F9C];
	s0 =	simm.s32 @p1 $0x1  }
0x15: {  	[smem:$0x3FB9] =	sst s0;
	s0 =	simm.s32 @!p2 $0x0  }
0x16: {  	s3 =	sld [smem:$0x3FDB];
	s0 =	simm.s32 @p2 $0x1  }
0x17: {  	s4 =	simm.s32 $0x1BF5;
	[smem:$0x3FBB] =	sst s0  }
0x18: {  	s0 =	sld [smem:$0x3F9E];
	_ =	swait.ge [sflag:s4], $0x0  }
0x19: {  	s7 =	sld [smem:$0x3F9F]  }
0x1a: {  	s8 =	sadd.s32 $0xFFFFE003, lr  }
0x1b: {  	s9 =	sadd.s32 $0xFFFFFEF7, lr;
	s5 =	simm.s32 $0xFFFFFFFF;
	p2 =	slt.u32 s8, $0xFFFFF086  }
0x1c: {  	p1 =	slt.u32 s9, $0xF7A;
	s5 =	simm.s32 @!p2 $0x0  }
0x1d: {  	s5 =	simm.s32 @p1 $0x1;
	p0 =	seq.s32 s7, s2  }
0x1e: {  	s7 =	smul.u32 @!p0 $0xF7A, s2;
	p2 =	seq.s32 @!p0 s5, $0x0  }
0x1f: {  	s9 =	smul.u32 $0xF7A, s1;
	s8 =	simm.s32 @!p0 $0x1BF5;
	p2 =	por !p2, p0  }
0x20: {  	[sflag:s8] =	ssyncset.s32 @!p0 $0xFFFFF086;
	s6 =	sadd.s32 @!p0 s3, s7;
	s7 =	simm.s32 @!p0 $0x108  }
0x21: {  	s3 =	sadd.s32 s3, s9;
	s6 =	sadd.s32 @!p0 $0x88, s6;
	s7 =	simm.s32 @p2 $0x1082  }
0x22: {  	[simem:s7], [sflag:s8] =	dma.local @!p0 [hbm:s6], $0xF7A  }
0x23: {  	s9 =	sor.u32 $0xD0000000, s2;
	s6 =	simm.s32 $0x108;
	_ =	swait.ge @!p0 [sflag:s8], $0x0  }
0x24: {  	s3 =	sadd.s32 $0x88, s3;
	s6 =	simm.s32 @!p1 $0x1082;
	[sflag:s4] =	ssyncset.s32 $0xFFFFF086  }
0x25: {  	[simem:s6], [sflag:s4] =	dma.local [hbm:s3], $0xF7A  }
0x26: {  	[smem:$0x3F9F] =	sst s1;
	(tag) =	ssettag s2;
	_ =	strace s9  }
0x27: {  	s1 =	sld [smem:$0x3FAF]  }
0x28: {  	s2 =	sld [smem:$0x3FB0]  }
0x29: {  	s4 =	sld [smem:$0x3FB2]  }
0x2a: {  	p0 =	seq.s32 s5, $0x0;
	s5 =	sld [smem:$0x3FB3]  }
0x2b: {  	s6 =	sld [smem:$0x3FB4]  }
0x2c: {  	s7 =	sld [smem:$0x3FB5]  }
0x2d: {  	s3 =	simm.s32 $0x108;
	s8 =	sld [smem:$0x3FB6]  }
0x2e: {  	s3 =	simm.s32 @!p0 $0x1082;
	s9 =	sld [smem:$0x3FB7]  }
0x2f: {  	lr =	sadd.s32 s0, s3;
	s0 =	sld [smem:$0x3FAE]  }
0x30: {  	s3 =	sld [smem:$0x3FB1]  }
0x31: {  	[smem:$0x3FBA] =	sst s10  }
0x32: {  	s10 =	sld [smem:$0x3FB8];
	_ =	sdelay $0x3  }
0x33: {  	p0 =	seq.s32 s10, $0x1;
	s10 =	sld [smem:$0x3FBA];
	_ =	sdelay $0x3  }
0x34: {  	[smem:$0x3FBA] =	sst s10  }
0x35: {  	s10 =	sld [smem:$0x3FB9];
	_ =	sdelay $0x3  }
0x36: {  	p1 =	seq.s32 s10, $0x1;
	s10 =	sld [smem:$0x3FBA];
	_ =	sdelay $0x3  }
0x37: {  	[smem:$0x3FBA] =	sst s10  }
0x38: {  	s10 =	sld [smem:$0x3FBB]  }
0x39: {  	_ = 	snop;
	(pc) =	sbr.ind lr, $3  }
0x3a: {  	_ = 	snop  }
0x3b: {  	_ = 	snop  }
0x3c: {  	p2 =	seq.s32 s10, $0x1;
	s10 =	sld [smem:$0x3FBA]  }
0x3d: {  	_ =	shalt  }
0x3e: {  	_ =	shalt  }
0x3f: {  	_ =	shalt  }
0x40: {  	_ =	shalt  }
0x41: {  	_ =	shalt  }
0x42: {  	_ =	shalt  }
0x43: {  	_ =	shalt  }
0x44: {  	_ =	shalt  }
0x45: {  	_ =	shalt  }
0x46: {  	_ =	shalt  }
0x47: {  	_ =	shalt  }
0x48: {  	_ =	shalt  }
0x49: {  	_ =	shalt  }
0x4a: {  	_ =	shalt  }
0x4b: {  	_ =	shalt  }
0x4c: {  	_ =	shalt  }
0x4d: {  	_ =	shalt  }
0x4e: {  	_ =	shalt  }
0x4f: {  	_ =	shalt  }
0x50: {  	_ =	shalt  }
0x51: {  	_ =	shalt  }
0x52: {  	_ =	shalt  }
0x53: {  	_ =	shalt  }
0x54: {  	_ =	shalt  }
0x55: {  	_ =	shalt  }
0x56: {  	_ =	shalt  }
0x57: {  	_ =	shalt  }
0x58: {  	_ =	shalt  }
0x59: {  	_ =	shalt  }
0x5a: {  	_ =	shalt  }
0x5b: {  	_ =	shalt  }
0x5c: {  	_ =	shalt  }
0x5d: {  	_ =	shalt  }
0x5e: {  	_ =	shalt  }
0x5f: {  	_ =	shalt  }
0x60: {  	_ =	shalt  }
0x61: {  	_ =	shalt  }
0x62: {  	_ =	shalt  }
0x63: {  	_ =	shalt  }
0x64: {  	_ =	shalt  }
0x65: {  	_ =	shalt  }
0x66: {  	_ =	shalt  }
0x67: {  	_ =	shalt  }
0x68: {  	_ =	shalt  }
0x69: {  	_ =	shalt  }
0x6a: {  	_ =	shalt  }
0x6b: {  	_ =	shalt  }
0x6c: {  	_ =	shalt  }
0x6d: {  	_ =	shalt  }
0x6e: {  	_ =	shalt  }
0x6f: {  	_ =	shalt  }
0x70: {  	_ =	shalt  }
0x71: {  	_ =	shalt  }
0x72: {  	_ =	shalt  }
0x73: {  	_ =	shalt  }
0x74: {  	_ =	shalt  }
0x75: {  	_ =	shalt  }
0x76: {  	_ =	shalt  }
0x77: {  	_ =	shalt  }
0x78: {  	_ =	shalt  }
0x79: {  	_ =	shalt  }
0x7a: {  	_ =	shalt  }
0x7b: {  	_ =	shalt  }
0x7c: {  	_ =	shalt  }
0x7d: {  	_ =	shalt  }
0x7e: {  	_ =	shalt  }
0x7f: {  	_ =	shalt  }
0x80: {  	_ =	shalt  }
0x81: {  	_ =	shalt  }
0x82: {  	_ =	shalt  }
0x83: {  	_ =	shalt  }
0x84: {  	_ =	shalt  }
0x85: {  	_ =	shalt  }
0x86: {  	_ =	shalt  }
0x87: {  	_ =	shalt  }
.Lfunc_end0:
.L_simem_size_0:
called_computation.1_lowered:
.L_overlay_start_0:
0x88: {  	s2 =	sld [smem:$0x3FD9]  }
0x89: {  	s3 =	sld [smem:$0x3FFE];
	_ =	sdelay $0x1  }
0x8a: {  	s1 =	srdreg.scid  }
0x8b: {  	s0 =	sand.u32 $0x1, s1  }
0x8c: {  	s17 =	sshll.u32 s0, $0xA;
	s2 =	sadd.s32 s3, s2  }
0x8d: {  	s2 =	sadd.s32 s2, s17  }
0x8e: {  	[smem:$0x3FC6] =	sst s2  }
0x8f: {  	_ = 	snop  }
0x90: {  	s2 =	sld [smem:$0x3FD0];
	(tm) =	ssettm $0x1  }
0x91: {  	s18 =	sld [smem:$0x3FFB];
	_ =	sdelay $0x3  }
0x92: {  	_ =	strace s18  }
0x93: {  	s3 =	sld [smem:$0x3FFC];
	_ =	sdelay $0x3  }
0x94: {  	_ =	strace s3  }
0x95: {  	s3 =	sld [smem:$0x3FFD];
	_ =	sdelay $0x3  }
0x96: {  	_ =	strace s3  }
0x97: {  	_ =	strace $0x8FFFFFFF  }
0x98: {  	s19 =	sld [smem:$0x3FDB];
	_ =	sdelay $0x1  }
0x99: {  	s4 =	simm.s32 $_scs_section_size  }
0x9a: {  	s5 =	simm.s32 $_size__tile_overlayer_lowered;
	s6 =	simm.s32 $_tile_overlayer_lowered  }
0x9b: {  	s22 =	simm.s32 $0x1BFF;
	s21 =	sshll.u32 s6, $0x1;
	s3 =	sadd.s32 s4, s19  }
0x9c: {  	s7 =	simm.s32 $0x0;
	s20 =	sshll.u32 s5, $0x1;
	s5 =	sadd.s32 s21, s3  }
0x9d: {  	[timem:s7], [sflag:s22] =	dma.local [hbm:s5], s20  }
0x9e: {  	_ =	swait.ge [sflag:s22], s20  }
0x9f: {  	s4 =	ssub.s32 $0x0, s20;
	[sflag:s22] =	ssyncset.done $0x0  }
0xa0: {  	[sflag:s22] =	ssyncadd.s32 s4;
	_ =	sdelay $0x1  }
0xa1: {  	s23 =	simm.s32 $0x1B8B  }
0xa2: {  	_ =	swait.ge [sflag:s23], $0x1  }
0xa3: {  	[sflag:s23] =	ssyncset.done $0x0  }
0xa4: {  	s25 =	simm.s32 $0x1B8E;
	s24 =	sld [smem:$0x3FFE];
	[sflag:s23] =	ssyncadd.s32 $0xFFFFFFFF  }
0xa5: {  	s26 =	simm.s32 $execute0_lowered;
	[smem:$0x3FD2] =	sst s25  }
0xa6: {  	s5 =	sshll.u32 s26, $0x1;
	_ =	strace $0x80000046;
	[dreg:$0x1] =	wrdreg $0xFFFFFFFF  }
0xa7: {  	s28 =	simm.s32 $_size_execute0_lowered;
	s3 =	sadd.s32 s3, s5;
	[dreg:$0x0] =	wrdreg $0x0  }
0xa8: {  	s5 =	sshll.u32 s28, $0x1;
	[dreg:$0x2] =	wrdreg s3  }
0xa9: {  	[dreg:$0x3] =	wrdreg s5  }
0xaa: {  	[dreg:$0x4] =	wrdreg $0xC0  }
0xab: {  	_ =	task [dreg:s7], $0x5FFFF  }
0xac: {  	[dreg:$0x1] =	wrdreg $0xFFFFFFFF  }
0xad: {  	[dreg:$0x0] =	wrdreg $0x60  }
0xae: {  	[dreg:$0x2] =	wrdreg s24  }
0xaf: {  	[dreg:$0x3] =	wrdreg s2  }
0xb0: {  	[dreg:$0x4] =	wrdreg $0x9  }
0xb1: {  	_ =	task.clear_ibuf [dreg:s7], $0x5FFFF;
	_ =	strace $0x90000046  }
0xb2: {  	s29 =	simm.s32 $0x9;
	_ =	strace $0x80000048  }
0xb3: {  	_ =	swait.ge [sflag:s29], $0x1  }
0xb4: {  	[sflag:s29] =	ssyncadd.s32 $0xFFFFFFFF  }
0xb5: {  	_ =	strace $0x90000048  }
0xb6: {  	_ =	sfence  }
0xb7: {  	s30 =	sld [smem:$0x0];
	_ =	sdelay $0x2  }
0xb8: {  	s31 =	sshll.u32 s1, $0xD;
	s1 =	sshrl.u32 s1, $0x2  }
0xb9: {  	s3 =	sand.u32 $0x4000, s31;
	s1 =	sadd.s32 s1, s30  }
0xba: {  	s0 =	sor.u32 s3, s0;
	s1 =	sshll.u32 s1, $0x11  }
0xbb: {  	s0 =	sor.u32 s1, s0  }
0xbc: {  	s0 =	sadd.s32 $0x8F2B, s0  }
0xbd: {  	[sflag:s0] =	ssyncadd.remote.s32 $0x1  }
0xbe: {  	_ =	sfence.sel $0xFFFF  }
0xbf: {  	[dreg:$0x0] =	wrdreg $0xFFFFFFFF;
	(pc) =	sbr.abs _section_cstart, $3  }
0xc0: {  	[dreg:$0x1] =	wrdreg $0xFFFFFFFF  }
0xc1: {  	_ =	task.clear_ibuf [dreg:s7], $0x2FFFF;
	_ =	strace $0x9FFFFFFF  }
0xc2: {  	(tm) =	ssettm $0x7FFFFFFF  }
0xc3: {  	_ =	shalt  }
tec
execute0_lowered:
.L_overlay_start_1:
0x0: {  	(tag) =	ssettag $0x1  }
0x1: {  	s7 =	rddreg [dreg:$0x0]  }
0x2: {  	s1 =	rddreg [dreg:$0x1]  }
0x3: {  	s0 =	rddreg [dreg:$0x2]  }
0x4: {  	s2 =	simm.s32 $0x0;
	s3 =	srdreg.scid;
	s12 =	simm.s32 $0x10380  }
0x5: {  	s13 =	simm.s32 $0x12400;
	s14 =	simm.s32 $0x12380;
	s15 =	simm.s32 $0x1  }
0x6: {  	s16 =	simm.s32 $0x2;
	s17 =	simm.s32 $0x3;
	s18 =	simm.s32 $0x0  }
0x7: {  	[smem:$0x7FF] =	sst s2;
	s8 =	sand.u32 $0x1, s3;
	s4 =	sadd.s32 $0x181000, s7  }
.Ltmp0:
0x8: {  	s3 =	stileid.u32;
	s5 =	sadd.s32 $0x1000, s7;
	(pc) =	sbr.rel .LBB2_1-.Ltmp0, $4  }
0x9: {  	s6 =	sadd.s32 $0xA00, s7;
	s7 =	sadd.s32 $0x301000, s7;
	s9 =	ssub.s32 $0x2, s8  }
0xa: {  	_ =	strace $0x80000047;
	s11 =	sshll.u32 s3, $0x1;
	s10 =	sshrl.u32 s9, $0x1  }
0xb: {  	s8 =	sor.u32 s8, s11;
	s11 =	simm.s32 $0x380;
	s9 =	ssub.s32 s9, s10  }
0xc: {  	v0 =	vlaneseq.u32;
	s8 =	smul.u32 $0x18, s8;
	s10 =	simm.s32 $0x4;
	s9 =	smax.u32 s9, $0x1  }
.LBB2_8:
0xd: {  	s18 =	sadd.s32 $0x1, s18  }
0xe: {  	p0 =	sne.s32 s18, s9  }
.Ltmp1:
0xf: {  	_ = 	snop;
	(pc) =	sbr.rel @!p0 .LBB2_9-.Ltmp1, $1  }
0x10: {  	_ =	sdelay $0x3  }
.LBB2_1:
.Ltmp2:
0x11: {  	(pc) =	sbr.rel .LBB2_2-.Ltmp2, $4  }
0x12: {  	[tilespmem:s2], [sflag:$0x4] =	stream.linear.gather [hbm4b:s6+s2], $0x380, $0x38;
	[tilespmem:$0x14480] =	vst v63  }
0x13: {  	_ =	swait.ge [sflag:s10], $0x380  }
0x14: {  	[sflag:s10] =	ssyncset.done $0x0  }
0x15: {  	s19 =	simm.s32 $0x0;
	[sflag:s10] =	ssyncadd.s32 $0xFFFFFC80  }
.LBB2_7:
0x16: {  	s19 =	sadd.s32 $0x1, s19  }
0x17: {  	s20 =	sshll.u32 s20, $0xD;
	p0 =	sne.s32 s19, $0x18  }
.Ltmp3:
0x18: {  	s20 =	sadd.s32 s1, s20;
	(pc) =	sbr.rel @!p0 .LBB2_8-.Ltmp3, $4  }
0x19: {  	[hbm4b:s20+s2] =	stream.linear.scatter [tilespmem:s11], [sflag:$0x4], $0x10000, $0x38;
	[tilespmem:$0x14480] =	vst v63  }
0x1a: {  	_ =	swait.ge [sflag:s10], $0x10000  }
0x1b: {  	[sflag:s10] =	ssyncset.done $0x0  }
0x1c: {  	[sflag:s10] =	ssyncadd.s32 $0xFFFF0000  }
.LBB2_2:
0x1d: {  	s20 =	sadd.s32 s8, s19  }
0x1e: {  	s21 =	sand.u32 $0x7F0, s20;
	s22 =	sadd.s32 $0x1, s20  }
0x1f: {  	v1 =	vld [tilespmem:s21+$0x0];
	s26 =	sand.u32 $0x7FFFFFF0, s22  }
0x20: {  	v2 =	vld [tilespmem:s26+$0x0];
	_ =	sdelay $0x1  }
0x21: {  	s28 =	sand.u32 $0xF, s20  }
0x22: {  	v3 =	vmov s28;
	s29 =	sand.u32 $0xF, s22  }
0x23: {  	vm0 =	veq.s32 v3, v0;
	v3 =	vmov s29;
	v1 =	vxor.u32 $0x80000000, v1  }
0x24: {  	vm15 =	veq.s32 v3, v0;
	v1 =	vnsel vm0, $0x1, v1;
	v2 =	vxor.u32 $0x80000000, v2  }
0x25: {  	(xrf0) =	vmax.scan.msk.u32 $0xffff, v1;
	v1 =	vnsel vm15, $0x1, v2  }
0x26: {  	(xrf0) =	vmax.scan.msk.u32 $0xffff, v1;
	_ =	sdelay $0x4  }
0x27: {  	v1, _, _ =	vpop (xrf0)  }
0x28: {  	(v2sf) =	vpush v1, $0xF;
	v1, _, _ =	vpop (xrf0)  }
0x29: {  	(v2sf) =	vpush v1, $0xF;
	_ =	sdelay $0xd  }
0x2a: {  	s30 =	spop (v2sf)  }
0x2b: {  	s31 =	spop (v2sf);
	s21 =	sand.u32 $0xFFFFFFF8, s30  }
0x2c: {  	s22 =	sxor.u32 $0x80000000, s31;
	s21 =	sxor.u32 $0x80000000, s21  }
0x2d: {  	s22 =	ssub.s32 s22, s21  }
0x2e: {  	s22 =	sadd.s32 $0x1FFF, s22  }
0x2f: {  	s22 =	sshra.s32 s22, $0xD  }
0x30: {  	p0 =	slt.s32 s22, $0x1  }
.Ltmp4:
0x31: {  	_ = 	snop;
	(pc) =	sbr.rel @p0 .LBB2_7-.Ltmp4, $4  }
0x32: {  	[tilespmem:s11], [sflag:$0x4] =	stream.linear.gather [hbm4b:s7+s2], $0x10000, $0x38;
	[tilespmem:$0x14480] =	vst v63  }
0x33: {  	_ =	swait.ge [sflag:s10], $0x10000  }
0x34: {  	[sflag:s10] =	ssyncset.done $0x0  }
0x35: {  	[sflag:s10] =	ssyncadd.s32 $0xFFFF0000  }
0x36: {  	s23 =	sshll.u32 s20, $0x10  }
0x37: {  	s24 =	sadd.s32 $0x10000, s23  }
0x38: {  	v1 =	vmov s23;
	s23 =	simm.s32 $0x0;
	v2 =	vmov s24;
	s24 =	simm.s32 $0x0  }
.LBB2_4:
0x39: {  	s25 =	sshll.u32 s24, $0xD  }
0x3a: {  	s25 =	sadd.s32 s21, s25  }
0x3b: {  	p0 =	slt.s32 s25, $0xBFE000;
	s26 =	smov.u32 s25  }
0x3c: {  	s28 =	smov.u32 s25;
	s26 =	simm.s32 @!p0 $0xBFE000;
	p0 =	slt.s32 s25, $0xBFDFF0  }
0x3d: {  	s26 =	sshrl.u32 s26, $0x3;
	s28 =	simm.s32 @!p0 $0xBFDFF0  }
0x3e: {  	s29 =	sadd.s32 s4, s26;
	s28 =	sadd.s32 $0x2000, s28  }
0x3f: {  	[tilespmem:s12], [sflag:$0x1] =	stream.linear.gather [hbm4b:s29+s23], $0x2000, $0x38;
	[tilespmem:$0x14480] =	vst v63  }
0x40: {  	s26 =	sadd.s32 s5, s26;
	s31 =	sshrl.u32 s28, $0x3  }
0x41: {  	[tilespmem:s13], [sflag:$0x2] =	stream.linear.gather [hbm4b:s26+s23], $0x2000, $0x38;
	[tilespmem:$0x14480] =	vst v63  }
0x42: {  	s26 =	sadd.s32 s4, s31  }
0x43: {  	[tilespmem:s14], [sflag:$0x3] =	stream.linear.gather [hbm4b:s26+s23], $0x10, $0x38;
	[tilespmem:$0x14480] =	vst v63  }
0x44: {  	_ =	swait.ge [sflag:s15], $0x2000  }
0x45: {  	[sflag:s15] =	ssyncset.done $0x0  }
0x46: {  	[sflag:s15] =	ssyncadd.s32 $0xFFFFE000  }
0x47: {  	_ =	swait.ge [sflag:s16], $0x2000  }
0x48: {  	[sflag:s16] =	ssyncset.done $0x0  }
0x49: {  	[sflag:s16] =	ssyncadd.s32 $0xFFFFE000  }
0x4a: {  	_ =	swait.ge [sflag:s17], $0x10  }
0x4b: {  	[sflag:s17] =	ssyncset.done $0x0  }
0x4c: {  	[sflag:s17] =	ssyncadd.s32 $0xFFFFFFF0  }
0x4d: {  	v3 =	vld [tilespmem:$0x12380];
	_ =	sdelay $0x3  }
0x4e: {  	p6 =	sgt.s32 s25, $0xBFDFFF  }
0x4f: {  	v3 =	vpsel p6, $0x3000000, v3  }
0x50: {  	s25 =	simm.s32 $0x0;
	s26 =	simm.s32 $0x40;
	[tilespmem:$0x12380] =	vst v3  }
.LBB2_5:
0x51: {  	p0 =	sne.s32 s26, $0x7FC0;
	v3 =	vld [tilespmem:s25+$0x10380]  }
0x52: {  	v4 =	vld [tilespmem:s25+$0x10381];
	_ =	sdelay $0x3  }
0x53: {  	vm0 =	vge.s32 v3, v1;
	vm1 =	vlt.s32 v3, v2  }
0x54: {  	vm2 =	vne.s32 v3, v4;
	vm0 =	vmand vm0, vm1;
	v4 =	vsub.s32 v3, v1  }
0x55: {  	v3 =	vand.u32 $0x7F, v3;
	vm0 =	vmand vm2, vm0;
	v4 =	vand.u32 $0xFFFFFF80, v4  }
0x56: {  	v5 =	vld [tilespmem:s25+$0x12400];
	v3 =	vor.u32 v3, v4  }
.Ltmp5:
0x57: {  	(pc) =	sbr.rel @p0 .LBB2_5-.Ltmp5, $2  }
0x58: {  	_ =	sdelay $0x2  }
0x59: {  	s25 =	sshra.s32 s26, $0x2;
	s26 =	sadd.s32 $0x40, s26;
	[tilespmem:v3+s11+$0x0] =	vst.idx.msk vm0, v5  }
0x5a: {  	v3 =	vld [tilespmem:s25+$0x10380]  }
0x5b: {  	v4 =	vld [tilespmem:s25+$0x10381];
	_ =	sdelay $0x3  }
0x5c: {  	vm0 =	vge.s32 v3, v1;
	vm1 =	vlt.s32 v3, v2  }
0x5d: {  	vm2 =	vne.s32 v3, v4;
	v63 =	vsub.s32 v3, v1;
	vm0 =	vmand vm0, vm1  }
0x5e: {  	s24 =	sadd.s32 $0x1, s24;
	v3 =	vand.u32 $0x7F, v3;
	v4 =	vand.u32 $0xFFFFFF80, v63;
	vm0 =	vmand vm2, vm0  }
0x5f: {  	v5 =	vld [tilespmem:s25+$0x12400];
	p0 =	sne.s32 s24, s22;
	v3 =	vor.u32 v3, v4  }
.Ltmp6:
0x60: {  	_ = 	snop;
	(pc) =	sbr.rel @p0 .LBB2_4-.Ltmp6, $4  }
.Ltmp7:
0x61: {  	_ = 	snop;
	(pc) =	sbr.rel @!p0 .LBB2_7-.Ltmp7, $4  }
0x62: {  	_ = 	snop  }
0x63: {  	_ = 	snop  }
0x64: {  	[tilespmem:v3+s11+$0x0] =	vst.idx.msk vm0, v5  }
0x65: {  	_ = 	snop  }
.LBB2_9:
0x66: {  	_ =	sfence.sel $0x180000  }
0x67: {  	[bflag:$0x0] =	sbarrier.arrive $0xFFFF  }
0x68: {  	p0 =	sne.s32 s3, $0x0;
	_ =	strace $0x90000047  }
0x69: {  	s0 =	sadd.s32 @!p0 $0x100000, s0;
	[bflag:$0x2] =	sbarrier.arrive $0xFFFF  }
0x6a: {  	[sflag:s0] =	ssyncadd.tile.s32 @!p0 $0x1;
	_ =	shalt  }
.Lfunc_end2:
_tile_overlayer_lowered:
.L_overlay_start_2:
0x6b: {  	(tag) =	ssettag $0x2  }
0x6c: {  	s0 =	rddreg [dreg:$0x0];
	s2 =	stileid.u32  }
0x6d: {  	s1 =	rddreg [dreg:$0x1];
	p0 =	sne.s32 s2, $0x0  }
0x6e: {  	s3 =	rddreg [dreg:$0x2];
	[bflag:$0x3] =	sbarrier.arrive $0xFFFF;
	s2 =	simm.s32 @!p0 $0x1C04  }
0x6f: {  	[timem:s3], [sflag:s2] =	dma.local @!p0 [hbm:s0], s1  }
0x70: {  	s0 =	simm.s32 @!p0 $0x4  }
0x71: {  	_ =	swait.ge @!p0 [sflag:s0], s1  }
0x72: {  	s1 =	ssub.s32 @!p0 $0x0, s1;
	[sflag:s0] =	ssyncset.done @!p0 $0x0  }
0x73: {  	[sflag:s0] =	ssyncadd.s32 @!p0 s1  }
0x74: {  	[bflag:$0x3] =	sbarrier.arrive $0xFFFF  }
0x75: {  	_ =	shalt  }

// kernel: sparse-core-data-format-call.cloned.1.call-start
scs
called_computation_lowered:
.L_overlay_start_0:
0x0: {  	s2 =	sld [smem:$0x3FD9]  }
0x1: {  	s3 =	sld [smem:$0x3FFE];
	_ =	sdelay $0x1  }
0x2: {  	s1 =	srdreg.scid  }
0x3: {  	s0 =	sand.u32 $0x1, s1  }
0x4: {  	s18 =	sshll.u32 s0, $0xA;
	s2 =	sadd.s32 s3, s2  }
0x5: {  	s2 =	sadd.s32 s2, s18  }
0x6: {  	[smem:$0x3FC6] =	sst s2  }
0x7: {  	_ = 	snop  }
0x8: {  	s2 =	sld [smem:$0x3FD0];
	(tm) =	ssettm $0x1  }
0x9: {  	s19 =	sld [smem:$0x3FFB];
	_ =	sdelay $0x3  }
0xa: {  	_ =	strace s19  }
0xb: {  	s3 =	sld [smem:$0x3FFC];
	_ =	sdelay $0x3  }
0xc: {  	_ =	strace s3  }
0xd: {  	s3 =	sld [smem:$0x3FFD];
	_ =	sdelay $0x3  }
0xe: {  	_ =	strace s3  }
0xf: {  	_ =	strace $0x8FFFFFFF  }
0x10: {  	s20 =	sld [smem:$0x3FDB];
	_ =	sdelay $0x1  }
0x11: {  	s4 =	simm.s32 $_scs_section_size  }
0x12: {  	s5 =	simm.s32 $_size__tile_overlayer_lowered;
	s6 =	simm.s32 $_tile_overlayer_lowered  }
0x13: {  	s23 =	simm.s32 $0x1BFF;
	s22 =	sshll.u32 s6, $0x1;
	s3 =	sadd.s32 s4, s20  }
0x14: {  	s7 =	simm.s32 $0x0;
	s21 =	sshll.u32 s5, $0x1;
	s5 =	sadd.s32 s22, s3  }
0x15: {  	[timem:s7], [sflag:s23] =	dma.local [hbm:s5], s21  }
0x16: {  	_ =	swait.ge [sflag:s23], s21  }
0x17: {  	s4 =	ssub.s32 $0x0, s21;
	[sflag:s23] =	ssyncset.done $0x0  }
0x18: {  	[sflag:s23] =	ssyncadd.s32 s4;
	_ =	sdelay $0x1  }
0x19: {  	s24 =	simm.s32 $0x1B8B  }
0x1a: {  	_ =	swait.ge [sflag:s24], $0x1  }
0x1b: {  	[sflag:s24] =	ssyncset.done $0x0  }
0x1c: {  	s26 =	simm.s32 $0x1B8E;
	s25 =	sld [smem:$0x3FFE];
	[sflag:s24] =	ssyncadd.s32 $0xFFFFFFFF  }
0x1d: {  	s27 =	simm.s32 $execute0_lowered;
	[smem:$0x3FD2] =	sst s26  }
0x1e: {  	s5 =	sshll.u32 s27, $0x1;
	_ =	strace $0x80000049;
	[dreg:$0x1] =	wrdreg $0xFFFFFFFF  }
0x1f: {  	s28 =	simm.s32 $_size_execute0_lowered;
	s3 =	sadd.s32 s3, s5;
	[dreg:$0x0] =	wrdreg $0x0  }
0x20: {  	s5 =	sshll.u32 s28, $0x1;
	[dreg:$0x2] =	wrdreg s3  }
0x21: {  	[dreg:$0x3] =	wrdreg s5  }
0x22: {  	[dreg:$0x4] =	wrdreg $0xC0  }
0x23: {  	_ =	task [dreg:s7], $0x5FFFF  }
0x24: {  	[dreg:$0x1] =	wrdreg $0xFFFFFFFF  }
0x25: {  	[dreg:$0x0] =	wrdreg $0x60  }
0x26: {  	[dreg:$0x2] =	wrdreg s25  }
0x27: {  	[dreg:$0x3] =	wrdreg s2  }
0x28: {  	[dreg:$0x4] =	wrdreg $0x9  }
0x29: {  	_ =	task.clear_ibuf [dreg:s7], $0x5FFFF;
	_ =	strace $0x90000049  }
0x2a: {  	s29 =	simm.s32 $0x9;
	_ =	strace $0x8000004B  }
0x2b: {  	_ =	swait.ge [sflag:s29], $0x1  }
0x2c: {  	[sflag:s29] =	ssyncadd.s32 $0xFFFFFFFF  }
0x2d: {  	_ =	strace $0x9000004B  }
0x2e: {  	_ =	sfence  }
0x2f: {  	s30 =	sld [smem:$0x0];
	_ =	sdelay $0x2  }
0x30: {  	s31 =	sshll.u32 s1, $0xD;
	s1 =	sshrl.u32 s1, $0x2  }
0x31: {  	s3 =	sand.u32 $0x4000, s31;
	s1 =	sadd.s32 s1, s30  }
0x32: {  	s0 =	sor.u32 s3, s0;
	s1 =	sshll.u32 s1, $0x11  }
0x33: {  	s0 =	sor.u32 s1, s0  }
0x34: {  	s0 =	sadd.s32 $0x8F2B, s0  }
0x35: {  	[sflag:s0] =	ssyncadd.remote.s32 $0x1  }
0x36: {  	_ =	sfence.sel $0xFFFF  }
0x37: {  	[dreg:$0x0] =	wrdreg $0xFFFFFFFF;
	(pc) =	sbr.abs _section_cstart, $3  }
0x38: {  	[dreg:$0x1] =	wrdreg $0xFFFFFFFF  }
0x39: {  	_ =	task.clear_ibuf [dreg:s7], $0x2FFFF;
	_ =	strace $0x9FFFFFFF  }
0x3a: {  	(tm) =	ssettm $0x7FFFFFFF  }
0x3b: {  	_ =	shalt  }
tec
execute0_lowered:
.L_overlay_start_1:
0x0: {  	(tag) =	ssettag $0x1  }
0x1: {  	s3 =	rddreg [dreg:$0x0]  }
0x2: {  	s2 =	rddreg [dreg:$0x1]  }
0x3: {  	s1 =	srdreg.scid;
	s0 =	rddreg [dreg:$0x2];
	_ =	strace $0x8000004A  }
0x4: {  	s7 =	simm.s32 $0x2;
	s15 =	simm.s32 $0x0;
	p0 =	por $0x0, $0x0  }
0x5: {  	s16 =	simm.s32 $0x0;
	s17 =	simm.s32 $0x0;
	s8 =	simm.s32 $0x0  }
0x6: {  	s10 =	simm.s32 $0x0;
	s11 =	simm.s32 $0x0;
	s12 =	simm.s32 $0x0  }
.Ltmp0:
0x7: {  	s9 =	simm.s32 $0x0;
	s4 =	sshll.u32 s1, $0x4;
	(pc) =	sbr.rel .LBB1_1-.Ltmp0, $4  }
0x8: {  	s1 =	stileid.u32;
	s3 =	sadd.s32 $0xA00, s3;
	s4 =	sand.u32 $0x10, s4  }
0x9: {  	s5 =	sand.u32 $0x7, s1;
	s6 =	sor.u32 s1, s4;
	s4 =	simm.s32 $0x1  }
0xa: {  	s14 =	smov.u32 s5;
	[sflag:s4] =	ssyncpa.u1 $0x0;
	s6 =	sshrl.u32 s6, $0x3  }
0xb: {  	[sflag:s7] =	ssyncpa.u1 $0x0;
	s7 =	simm.s32 $0x800;
	s13 =	smov.u32 s6  }
.LBB1_5:
0xc: {  	p1 =	slt.u32 s9, $0x2;
	s18 =	smov.u32 s17  }
0xd: {  	p2 =	sgt.s32 @!p1 s17, $0x7;
	s19 =	sshra.s32 @!p1 s17, $0x1F;
	s20 =	sshra.s32 @!p1 s16, $0x1F  }
0xe: {  	p2 =	por !p2, p1;
	s17 =	sand.u32 @!p1 s19, s17;
	s19 =	smov.u32 s16  }
0xf: {  	s18 =	simm.s32 @p2 $0x7;
	p2 =	sgt.s32 @!p1 s16, $0xFF;
	s16 =	sand.u32 @!p1 s20, s16  }
0x10: {  	s20 =	sshra.s32 @!p1 s15, $0x1F;
	s17 =	ssub.s32 @!p1 s18, s17;
	p3 =	por !p2, p1  }
0x11: {  	s18 =	sadd.s32 @!p1 $0xFFFFFFF9, s17;
	s19 =	simm.s32 @p3 $0xFF;
	s17 =	ssub.s32 @!p1 $0x8, s17  }
0x12: {  	p3 =	sgt.s32 @!p1 s15, $0x80;
	p2 =	sgt.s32 @!p1 s18, $0x0;
	s16 =	ssub.s32 @!p1 s19, s16  }
0x13: {  	p3 =	por !p3, p1;
	s19 =	smov.u32 s15;
	s15 =	sand.u32 @!p1 s20, s15  }
0x14: {  	s17 =	smul.u32 @!p1 $0x60, s17;
	s18 =	sadd.s32 @!p1 $0xFFFFFF01, s16;
	s19 =	simm.s32 @p3 $0x80  }
0x15: {  	s16 =	ssub.s32 @!p1 $0x100, s16;
	p3 =	sgt.s32 @!p1 s18, $0x0;
	s15 =	ssub.s32 @!p1 s19, s15  }
0x16: {  	p2 =	por !p2, p1;
	p3 =	por !p3, p1;
	s18 =	sadd.s32 @!p1 $0xFFFFFF80, s15  }
0x17: {  	s17 =	simm.s32 @!p2 $0x0;
	s16 =	simm.s32 @!p3 $0x0;
	p3 =	sgt.s32 @!p1 s18, $0x7F  }
0x18: {  	s15 =	ssub.s32 @!p1 $0x100, s15;
	p2 =	por !p3, p1;
	s16 =	smul.u32 @!p1 s16, s17  }
0x19: {  	s19 =	smov.u32 s13;
	s18 =	sadd.s32 $0x80, s12;
	s15 =	simm.s32 @!p2 $0x0  }
0x1a: {  	p2 =	sgt.s32 s18, $0xFF;
	s15 =	smul.u32 @!p1 s15, s16;
	s16 =	sadd.s32 $0x4, s13  }
0x1b: {  	s19 =	smov.u32 @p2 s16  }
0x1c: {  	s21 =	smov.u32 s14;
	s16 =	sadd.s32 $0x8, s14;
	p3 =	sgt.s32 s19, $0xFF  }
0x1d: {  	s9 =	sadd.s32 $0x1, s9;
	p0 =	por !p0, !p0;
	s21 =	smov.u32 @p3 s16  }
0x1e: {  	s20 =	simm.s32 @!p1 $0x2;
	s18 =	simm.s32 @p2 $0x0;
	p2 =	sgt.s32 s21, $0x7  }
0x1f: {  	s17 =	smov.u32 s11;
	s21 =	smov.u32 @p2 s5;
	p2 =	sne.s32 s9, $0x82  }
.Ltmp1:
0x20: {  	s11 =	smov.u32 s14;
	s15 =	sand.u32 @!p1 $0x3FFFFFE0, s15;
	(pc) =	sbr.rel @!p2 .LBB1_6-.Ltmp1, $4  }
0x21: {  	_ =	swait.ge @!p1 [sflag:s20], s15;
	s22 =	ssub.s32 @!p1 $0x0, s15;
	s15 =	smov.u32 s8  }
0x22: {  	s16 =	smov.u32 s10;
	s19 =	smov.u32 @p3 s6;
	s8 =	smov.u32 s12  }
0x23: {  	s10 =	smov.u32 s13;
	s12 =	smov.u32 s18;
	[sflag:s20] =	ssyncset.done @!p1 $0x0  }
0x24: {  	s13 =	smov.u32 s19;
	[sflag:s20] =	ssyncadd.s32 @!p1 s22;
	s14 =	smov.u32 s21  }
.LBB1_1:
0x25: {  	p1 =	sgt.u32 s9, $0x7F  }
0x26: {  	s18 =	sxor.u32 @!p1 $0xFFFFFFFF, s9;
	s19 =	sshll.u32 @!p1 s14, $0x14  }
0x27: {  	s20 =	sshll.u32 @!p1 s13, $0xC;
	s21 =	sshll.u32 @!p1 s12, $0x4;
	s19 =	sadd.s32 @!p1 s3, s19  }
0x28: {  	s18 =	sshll.u32 @!p1 s18, $0xE;
	s21 =	sand.u32 @!p1 $0xFF0, s21;
	s19 =	sadd.s32 @!p1 s20, s19  }
0x29: {  	s18 =	sand.u32 @!p1 $0x4000, s18;
	s20 =	simm.s32 @!p1 $0x0;
	s19 =	sadd.s32 @!p1 s21, s19  }
0x2a: {  	[tilespmem:s18], [sflag:$0x1] =	stream.linear.gather @!p1 [hbm4b:s19+s20], $0x4000, $0x38;
	[tilespmem:$0x10100] =	vst v63  }
0x2b: {  	p1 =	seq.s32 s9, $0x0  }
0x2c: {  	p2 =	seq.s32 @!p1 s9, $0x81  }
0x2d: {  	p1 =	por p1, p2  }
.Ltmp2:
0x2e: {  	_ = 	snop;
	(pc) =	sbr.rel @p1 .LBB1_5-.Ltmp2, $1  }
0x2f: {  	_ =	sdelay $0x3  }
0x30: {  	s18 =	simm.s32 $0x1  }
0x31: {  	_ =	swait.ge [sflag:s4], $0x4000;
	s18 =	simm.s32 @!p0 $0x0  }
0x32: {  	[sflag:s4] =	ssyncset.done $0x0;
	s19 =	sshll.u32 s18, $0xE  }
0x33: {  	[sflag:s4] =	ssyncadd.s32 $0xFFFFC000;
	s19 =	sor.u32 $0x40, s19  }
0x34: {  	s18 =	smul.u32 $0x10200, s18;
	v0 =	vld [tilespmem:s19+$0x30]  }
0x35: {  	v1 =	vld [tilespmem:s19+$0xFFFFFFD0]  }
0x36: {  	s18 =	sshrl.u32 s18, $0x2;
	v5 =	vld [tilespmem:s19+$0xFFFFFFE0]  }
0x37: {  	v6 =	vld [tilespmem:s19+$0xFFFFFFF0];
	s21 =	sor.u32 $0x8000, s18  }
0x38: {  	s31 =	sand.u32 $0x1, s9;
	v4 =	vld [tilespmem:s19+$0x0];
	s20 =	sadd.s32 $0x0, s21  }
0x39: {  	v3 =	vld [tilespmem:s19+$0x10];
	s18 =	smul.u32 $0x10200, s31;
	[tilespmem:s20+$0x3870 ss:$0x81] =	vst.msk $0xffff, v0  }
0x3a: {  	v2 =	vld [tilespmem:s19+$0x20];
	[tilespmem:s20+$0x810 ss:$0x81] =	vst.msk $0xffff, v1  }
0x3b: {  	s18 =	sshrl.u32 s18, $0x2;
	v1 =	vld [tilespmem:s19+$0xFFFFFFC0];
	[tilespmem:s20+$0x1020 ss:$0x81] =	vst.msk $0xffff, v5;
	s19 =	sadd.s32 $0x80, s19  }
0x3c: {  	s22 =	simm.s32 $0x4;
	s23 =	simm.s32 $0x8;
	s18 =	sor.u32 $0x8000, s18;
	[tilespmem:s20+$0x1830 ss:$0x81] =	vst.msk $0xffff, v6;
	v0 =	vld [tilespmem:s19+$0x30]  }
.LBB1_3:
0x3d: {  	p1 =	sne.s32 s23, $0x1FC;
	v5 =	vld [tilespmem:s19+$0xFFFFFFD0];
	[tilespmem:s20+$0x2040 ss:$0x81] =	vst.msk $0xffff, v4  }
0x3e: {  	v6 =	vld [tilespmem:s19+$0xFFFFFFE0];
	[tilespmem:s20+$0x2850 ss:$0x81] =	vst.msk $0xffff, v3  }
0x3f: {  	s24 =	sshra.s32 s22, $0x2;
	s22 =	smov.u32 s23;
	v7 =	vld [tilespmem:s19+$0xFFFFFFF0];
	[tilespmem:s20+$0x3060 ss:$0x81] =	vst.msk $0xffff, v2  }
.Ltmp3:
0x40: {  	v4 =	vld [tilespmem:s19+$0x0];
	[tilespmem:s20+$0x0 ss:$0x81] =	vst.msk $0xffff, v1;
	s20 =	sadd.s32 s24, s21;
	(pc) =	sbr.rel @p1 .LBB1_3-.Ltmp3, $4  }
0x41: {  	v3 =	vld [tilespmem:s19+$0x10];
	[tilespmem:s20+$0x3870 ss:$0x81] =	vst.msk $0xffff, v0  }
0x42: {  	[tilespmem:s20+$0x810 ss:$0x81] =	vst.msk $0xffff, v5;
	v2 =	vld [tilespmem:s19+$0x20]  }
0x43: {  	v1 =	vld [tilespmem:s19+$0xFFFFFFC0];
	[tilespmem:s20+$0x1020 ss:$0x81] =	vst.msk $0xffff, v6;
	s19 =	sadd.s32 $0x80, s19  }
0x44: {  	s23 =	sadd.s32 $0x4, s23;
	v0 =	vld [tilespmem:s19+$0x30];
	[tilespmem:s20+$0x1830 ss:$0x81] =	vst.msk $0xffff, v7  }
0x45: {  	s22 =	sshra.s32 s22, $0x2;
	s30 =	sshrl.u32 s8, $0x5;
	p1 =	sgt.s32 s11, $0x7  }
0x46: {  	s23 =	smov.u32 s11;
	s24 =	sshra.s32 s11, $0x1F;
	s26 =	sshra.s32 s10, $0x1F  }
0x47: {  	p2 =	sgt.s32 s8, $0x80;
	s28 =	sshra.s32 s8, $0x1F;
	s21 =	sadd.s32 s22, s21  }
0x48: {  	s22 =	sand.u32 $0xFFFFFC, s30;
	s23 =	simm.s32 @!p1 $0x7;
	s24 =	sand.u32 s24, s11  }
0x49: {  	p1 =	sgt.s32 s10, $0xFF;
	s26 =	sand.u32 s26, s10;
	s30 =	sand.u32 s28, s8  }
0x4a: {  	s28 =	sshrl.u32 s8, $0x3;
	s25 =	smulhi.u32 $0x2AAAAAB, s22;
	s23 =	ssub.s32 s23, s24  }
0x4b: {  	v5 =	vld [tilespmem:s19+$0xFFFFFFD0];
	[tilespmem:s20+$0x2040 ss:$0x81] =	vst.msk $0xffff, v4;
	s24 =	smov.u32 s10;
	s27 =	sadd.s32 $0xFFFFFFF9, s23;
	s23 =	ssub.s32 $0x8, s23  }
0x4c: {  	v58 =	vld [tilespmem:s19+$0xFFFFFFE0];
	[tilespmem:s20+$0x2850 ss:$0x81] =	vst.msk $0xffff, v3;
	s24 =	simm.s32 @!p1 $0xFF;
	p1 =	sgt.s32 s27, $0x0;
	s23 =	smul.u32 $0x60, s23  }
0x4d: {  	v59 =	vld [tilespmem:s19+$0xFFFFFFF0];
	[tilespmem:s20+$0x3060 ss:$0x81] =	vst.msk $0xffff, v2;
	s24 =	ssub.s32 s24, s26;
	s26 =	smov.u32 s8;
	s29 =	smul.u32 $0x60, s25  }
0x4e: {  	v60 =	vld [tilespmem:s19+$0x0];
	[tilespmem:s20+$0x0 ss:$0x81] =	vst.msk $0xffff, v1;
	s27 =	smul.u32 $0xC00, s10;
	s31 =	sadd.s32 $0xFFFFFF01, s24;
	s26 =	simm.s32 @!p2 $0x80  }
0x4f: {  	v61 =	vld [tilespmem:s19+$0x10];
	[tilespmem:s21+$0x3870 ss:$0x81] =	vst.msk $0xffff, v0;
	s24 =	ssub.s32 $0x100, s24;
	p2 =	sgt.s32 s31, $0x0;
	s25 =	ssub.s32 s26, s30  }
0x50: {  	v62 =	vld [tilespmem:s19+$0x20];
	[tilespmem:s21+$0x810 ss:$0x81] =	vst.msk $0xffff, v5;
	s23 =	simm.s32 @p1 $0x0;
	s26 =	smul.u32 $0xC0000, s11;
	s20 =	ssub.s32 s22, s29  }
0x51: {  	v63 =	vld [tilespmem:s19+$0xFFFFFFC0];
	[tilespmem:s21+$0x1020 ss:$0x81] =	vst.msk $0xffff, v58;
	s29 =	sand.u32 $0x7, s8;
	s24 =	simm.s32 @p2 $0x0;
	s31 =	sadd.s32 $0xFFFFFF80, s25  }
0x52: {  	[tilespmem:s21+$0x1830 ss:$0x81] =	vst.msk $0xffff, v59;
	s19 =	ssub.s32 $0x100, s25;
	s23 =	smul.u32 s24, s23;
	p1 =	sgt.s32 s31, $0x7F  }
.Ltmp4:
0x53: {  	[tilespmem:s21+$0x2040 ss:$0x81] =	vst.msk $0xffff, v60;
	s24 =	sadd.s32 s2, s26;
	s19 =	simm.s32 @p1 $0x0;
	(pc) =	sbr.rel .LBB1_5-.Ltmp4, $4  }
0x54: {  	[tilespmem:s21+$0x2850 ss:$0x81] =	vst.msk $0xffff, v61;
	s22 =	sadd.s32 s27, s24;
	s19 =	smul.u32 s19, s23;
	s23 =	sand.u32 $0xF, s28  }
0x55: {  	[tilespmem:s21+$0x3060 ss:$0x81] =	vst.msk $0xffff, v62;
	s20 =	sshll.u32 s20, $0x5;
	s30 =	sshll.u32 s29, $0x12;
	s22 =	sadd.s32 s23, s22  }
0x56: {  	[tilespmem:s21+$0x0 ss:$0x81] =	vst.msk $0xffff, v63;
	s31 =	sor.u32 $0x400, s30;
	s19 =	sand.u32 $0x3FFFFFE0, s19;
	s20 =	sadd.s32 s20, s22  }
0x57: {  	[hbm4b:s20+s31] =	stream.strided.scatter [tilespmem:s18], [sflag:$0x2], s19, s7, s31, $0x20;
	[tilespmem:$0x10100] =	vst v63  }
.LBB1_6:
0x58: {  	_ =	sfence.sel $0x180000  }
0x59: {  	s2 =	simm.s32 $0x1;
	[bflag:$0x0] =	sbarrier.arrive $0xFFFF  }
0x5a: {  	s31 =	simm.s32 $0x2;
	[sflag:s2] =	ssyncpa.u1 $0x1  }
0x5b: {  	[sflag:s31] =	ssyncpa.u1 $0x1  }
0x5c: {  	p0 =	sne.s32 s1, $0x0;
	_ =	strace $0x9000004A  }
0x5d: {  	s0 =	sadd.s32 @!p0 $0x100000, s0;
	[bflag:$0x2] =	sbarrier.arrive $0xFFFF  }
0x5e: {  	[sflag:s0] =	ssyncadd.tile.s32 @!p0 $0x1;
	_ =	shalt  }
.Lfunc_end1:
_tile_overlayer_lowered:
.L_overlay_start_2:
0x5f: {  	(tag) =	ssettag $0x2  }
0x60: {  	s0 =	rddreg [dreg:$0x0];
	s2 =	stileid.u32  }
0x61: {  	s1 =	rddreg [dreg:$0x1];
	p0 =	sne.s32 s2, $0x0  }
0x62: {  	s3 =	rddreg [dreg:$0x2];
	[bflag:$0x3] =	sbarrier.arrive $0xFFFF;
	s2 =	simm.s32 @!p0 $0x1C01  }
0x63: {  	[timem:s3], [sflag:s2] =	dma.local @!p0 [hbm:s0], s1  }
0x64: {  	s0 =	simm.s32 @!p0 $0x1  }
0x65: {  	_ =	swait.ge @!p0 [sflag:s0], s1  }
0x66: {  	s1 =	ssub.s32 @!p0 $0x0, s1;
	[sflag:s0] =	ssyncset.done @!p0 $0x0  }
0x67: {  	[sflag:s0] =	ssyncadd.s32 @!p0 s1  }
0x68: {  	[bflag:$0x3] =	sbarrier.arrive $0xFFFF  }
0x69: {  	_ =	shalt  }

</sc_bundles>
